<compile_context>
chip_gen: v7x
topology: tpu7x:2x2x1
jax: 0.10.2.dev20260603
libtpu: 0.0.44.dev20260713+nightly
codegen_flags: <defaults>
</compile_context>

<pallas_src>
import jax
import jax.numpy as jnp
from jax import lax
from jax.experimental import pallas as pl
from jax.experimental.pallas import tpu as pltpu
from jax.experimental.pallas import tpu_sc as plsc

N = 10000
E = 320000
D_IN = 128
HID = 256
NW = 32
L = 16

_BLKS = E // 128
_B_LO = _BLKS // NW
_B_EXTRA = _BLKS % NW
_CHUNK_MAX = (_B_LO + 1) * 128


def _sc_hist_body(edge_hbm, deg_out, c_out, ev, deg_v, c_v, sem):
    wid = lax.axis_index("s") * 2 + lax.axis_index("c")

    nblk = _B_LO + jnp.where(wid < _B_EXTRA, 1, 0)
    col0 = wid * (_B_LO * 128) + jnp.minimum(wid, _B_EXTRA) * 128
    ncol = nblk * 128

    edge_dma = pltpu.async_copy(
        edge_hbm.at[:, pl.ds(col0, ncol)], ev.at[:, pl.ds(0, ncol)], sem)

    zero = jnp.zeros((L,), jnp.float32)

    def _zero(i, _):
        deg_v[pl.ds(i * L, L)] = zero
        c_v[pl.ds(i * L, L)] = zero
        return 0

    lax.fori_loop(0, N // L, _zero, 0, unroll=8)
    edge_dma.wait()

    ones = jnp.ones((L,), jnp.float32)

    def _scan(i):
        s = ev[0, pl.ds(i, L)]
        d = ev[1, pl.ds(i, L)]
        plsc.addupdate_scatter(deg_v, [d], ones)
        plsc.addupdate_scatter(c_v, [s], ones, mask=d == 0)

    plsc.parallel_loop(0, _B_LO * 128, step=L, unroll=8)(_scan)

    @pl.when(wid < _B_EXTRA)
    def _extra():
        plsc.parallel_loop(_B_LO * 128, (_B_LO + 1) * 128, step=L,
                           unroll=8)(_scan)

    pltpu.sync_copy(deg_v, deg_out.at[wid])
    pltpu.sync_copy(c_v, c_out.at[wid])


_sc_hist = pl.kernel(
    _sc_hist_body,
    out_type=(
        jax.ShapeDtypeStruct((NW, N), jnp.float32),
        jax.ShapeDtypeStruct((NW, N), jnp.float32),
    ),
    mesh=plsc.VectorSubcoreMesh(core_axis_name="c", subcore_axis_name="s"),
    compiler_params=pltpu.CompilerParams(needs_layout_passes=False),
    scratch_types=[
        pltpu.VMEM((2, _CHUNK_MAX), jnp.int32),
        pltpu.VMEM((N,), jnp.float32),
        pltpu.VMEM((N,), jnp.float32),
        pltpu.SemaphoreType.DMA,
    ],
)


def _tc_head_body(state_ref, degp_ref, cp_ref,
                  Wc_ref, bc_ref, W1_ref, b1_ref, g1_ref, bt1_ref,
                  W2_ref, b2_ref, g2_ref, bt2_ref, Wmu_ref, bmu_ref, out_ref):
    deg = jnp.sum(degp_ref[...], axis=0, keepdims=True) + 1.0
    c = jnp.sum(cp_ref[...], axis=0, keepdims=True)
    dinv = lax.rsqrt(deg)
    col = lax.broadcasted_iota(jnp.int32, (1, N), 1)
    is_a = col == 0
    da = jnp.sum(jnp.where(is_a, dinv, 0.0))
    u = da * (c * dinv) + (da * da) * jnp.where(is_a, 1.0, 0.0)

    acc = jnp.dot(u, state_ref[...], preferred_element_type=jnp.float32)
    x = jnp.dot(acc, Wc_ref[...], preferred_element_type=jnp.float32) + bc_ref[...]
    x = jnp.maximum(x, 0.0)

    x = jnp.dot(x, W1_ref[...], preferred_element_type=jnp.float32) + b1_ref[...]
    m = jnp.mean(x, axis=-1, keepdims=True)
    v = jnp.mean((x - m) ** 2, axis=-1, keepdims=True)
    x = (x - m) * lax.rsqrt(v + 1e-5) * g1_ref[...] + bt1_ref[...]
    x = jnp.maximum(x, 0.0)

    x = jnp.dot(x, W2_ref[...], preferred_element_type=jnp.float32) + b2_ref[...]
    m = jnp.mean(x, axis=-1, keepdims=True)
    v = jnp.mean((x - m) ** 2, axis=-1, keepdims=True)
    x = (x - m) * lax.rsqrt(v + 1e-5) * g2_ref[...] + bt2_ref[...]
    x = jnp.maximum(x, 0.0)

    x = jnp.dot(x, Wmu_ref[...], preferred_element_type=jnp.float32) + bmu_ref[...]
    out_ref[...] = jax.nn.sigmoid(x)


def _tc_head(state, deg_parts, c_parts, Wc, bc, W1, b1, g1, bt1,
             W2, b2, g2, bt2, Wmu, bmu):
    return pl.pallas_call(
        _tc_head_body,
        out_shape=jax.ShapeDtypeStruct((1, 64), jnp.float32),
    )(state, deg_parts, c_parts, Wc, bc, W1, b1, g1, bt1,
      W2, b2, g2, bt2, Wmu, bmu)


def kernel(state, edge_index, agent_i, W_conv, b_conv, W1, b1, g1, beta1,
           W2, b2, g2, beta2, Wmu, bmu):
    del agent_i
    ei = edge_index.astype(jnp.int32)
    deg_parts, c_parts = _sc_hist(ei)

    out = _tc_head(state, deg_parts, c_parts,
                   W_conv, b_conv.reshape(1, HID),
                   W1, b1.reshape(1, 256), g1.reshape(1, 256), beta1.reshape(1, 256),
                   W2, b2.reshape(1, 128), g2.reshape(1, 128), beta2.reshape(1, 128),
                   Wmu, bmu.reshape(1, 64))
    return out.reshape(64)

# --- scband reference (transcript-rebuilt; emitter-appended) ---
"""Pipeline reference for scband-actor-network-16449724744506 (READ-ONLY COPY).

The authoritative reference and input builder live on the scoring server;
editing this copy changes nothing except your own understanding.
"""

import jax, jax.numpy as jnp
import numpy as np

N = 10000
E = 320000
D_IN = 128
HID = 256  # input_dims * 2
FC1 = 256
FC2 = 128
NA = 64


def setup_inputs(seed: int = 0) -> dict:
    key = jax.random.key(seed)
    ks = jax.random.split(key, 16)
    state = jax.random.normal(ks[0], (N, D_IN), dtype=jnp.float32)
    edge_index = jax.random.randint(ks[1], (2, E), 0, N)
    agent_i = 0
    # GCNConv params (glorot-ish scale)
    W_conv = jax.random.normal(ks[2], (D_IN, HID), dtype=jnp.float32) * (1.0 / np.sqrt(D_IN))
    b_conv = jnp.zeros((HID,), dtype=jnp.float32)
    f1 = 1.0 / np.sqrt(HID)
    W1 = jax.random.uniform(ks[3], (HID, FC1), minval=-f1, maxval=f1, dtype=jnp.float32)
    b1 = jax.random.uniform(ks[4], (FC1,), minval=-f1, maxval=f1, dtype=jnp.float32)
    g1 = jnp.ones((FC1,), dtype=jnp.float32)
    beta1 = jnp.zeros((FC1,), dtype=jnp.float32)
    f2 = 1.0 / np.sqrt(FC1)
    W2 = jax.random.uniform(ks[5], (FC1, FC2), minval=-f2, maxval=f2, dtype=jnp.float32)
    b2 = jax.random.uniform(ks[6], (FC2,), minval=-f2, maxval=f2, dtype=jnp.float32)
    g2 = jnp.ones((FC2,), dtype=jnp.float32)
    beta2 = jnp.zeros((FC2,), dtype=jnp.float32)
    f3 = 0.003
    Wmu = jax.random.uniform(ks[7], (FC2, NA), minval=-f3, maxval=f3, dtype=jnp.float32)
    bmu = jax.random.uniform(ks[8], (NA,), minval=-f3, maxval=f3, dtype=jnp.float32)
    return {
        "state": state, "edge_index": edge_index, "agent_i": agent_i,
        "W_conv": W_conv, "b_conv": b_conv,
        "W1": W1, "b1": b1, "g1": g1, "beta1": beta1,
        "W2": W2, "b2": b2, "g2": g2, "beta2": beta2,
        "Wmu": Wmu, "bmu": bmu,
    }


def _layernorm(v, g, b, eps=1e-5):
    m = jnp.mean(v, axis=-1, keepdims=True)
    var = jnp.mean((v - m) ** 2, axis=-1, keepdims=True)
    return (v - m) / jnp.sqrt(var + eps) * g + b


def _gcn_conv(x, edge_index, W, b):
    # PyG GCNConv: add self-loops, symmetric normalization, linear transform, scatter-add
    n = x.shape[0]
    loop = jnp.arange(n, dtype=edge_index.dtype)
    src = jnp.concatenate([edge_index[0], loop])
    dst = jnp.concatenate([edge_index[1], loop])
    xw = x @ W
    deg = jnp.zeros((n,), dtype=xw.dtype).at[dst].add(1.0)
    dinv = jnp.where(deg > 0, deg ** -0.5, 0.0)
    norm = dinv[src] * dinv[dst]
    msg = xw[src] * norm[:, None]
    out = jnp.zeros((n, W.shape[1]), dtype=xw.dtype).at[dst].add(msg)
    return out + b


def reference(state, edge_index, agent_i, W_conv, b_conv, W1, b1, g1, beta1, W2, b2, g2, beta2, Wmu, bmu):
    x = _gcn_conv(state, edge_index, W_conv, b_conv)
    x = jax.nn.relu(x[agent_i])
    x = x @ W1 + b1
    x = _layernorm(x, g1, beta1)
    x = jax.nn.relu(x)
    x = x @ W2 + b2
    x = _layernorm(x, g2, beta2)
    x = jax.nn.relu(x)
    x = jax.nn.sigmoid(x @ Wmu + bmu)
    return x

if __name__ == "__main__":
    import jax
    _d = setup_inputs()
    print(jax.jit(kernel)(*tuple(_d.values())))

</pallas_src>

<mosaic_0001>
#map = affine_map<(d0, d1) -> (0, 0)>
module attributes {stable_mosaic.version = 14 : i64} {
  func.func @_sc_hist_body(%arg0: i32, %arg1: i32, %arg2: memref<2x320000xi32, #tpu.memory_space<hbm>>, %arg3: memref<32x10000xf32, #tpu.memory_space<hbm>>, %arg4: memref<32x10000xf32, #tpu.memory_space<hbm>>, %arg5: memref<2x10112xi32, #tpu.memory_space<vmem>>, %arg6: memref<10000xf32, #tpu.memory_space<vmem>>, %arg7: memref<10000xf32, #tpu.memory_space<vmem>>, %arg8: memref<!tpu.dma_semaphore, #tpu.memory_space<semaphore_mem>>) attributes {dimension_semantics = [#tpu.dimension_semantics<core_parallel>, #tpu.dimension_semantics<subcore_parallel>], iteration_bounds = array<i64: 2, 16>, scalar_prefetch = 0 : i64, scratch_operands = 4 : i64, tpu.core_type = #tpu.core_type<sc_vector_subcore>, window_params = [{transform_indices = #map}, {transform_indices = #map}, {transform_indices = #map}]} {
    %mul3A = arith.constant 2 : i32
    %mul3A_0 = arith.muli %arg1, %mul3A : i32
    %add3A = arith.addi %mul3A_0, %arg0 : i32
    %lt3A = arith.constant 4 : i32
    %lt3A_1 = arith.cmpi slt, %add3A, %lt3A : i32
    %jit3A = arith.constant 1 : i32
    %jit3A_2 = arith.constant 0 : i32
    %select_n3A = arith.select %lt3A_1, %jit3A, %jit3A_2 : i32
    %add3A_3 = arith.constant 78 : i32
    %add3A_4 = arith.addi %add3A_3, %select_n3A : i32
    %mul3A_5 = arith.constant 9984 : i32
    %mul3A_6 = arith.muli %add3A, %mul3A_5 : i32
    %min3A = arith.constant 4 : i32
    %min3A_7 = arith.minsi %add3A, %min3A : i32
    %mul3A_8 = arith.constant 128 : i32
    %mul3A_9 = arith.muli %min3A_7, %mul3A_8 : i32
    %add3A_10 = arith.addi %mul3A_6, %mul3A_9 : i32
    %mul3A_11 = arith.constant 128 : i32
    %mul3A_12 = arith.muli %add3A_4, %mul3A_11 : i32
    %dma_start3A = arith.constant 0 : i32
    %dma_start3A_13 = arith.constant 0 : i32
    %dma_start3A_14 = tpu.memref_slice %arg5[%dma_start3A, %dma_start3A_13] <%mul3A_12> : memref<2x10112xi32, #tpu.memory_space<vmem>> -> memref<2x?xi32, #tpu.memory_space<vmem>>
    %dma_start3A_15 = arith.constant 0 : i32
    %dma_start3A_16 = tpu.memref_slice %arg2[%dma_start3A_15, %add3A_10] <%mul3A_12> : memref<2x320000xi32, #tpu.memory_space<hbm>> -> memref<2x?xi32, #tpu.memory_space<hbm>>
    %dma_start3A_17 = arith.constant 0 : i32
    %dma_start3A_18 = arith.constant 0 : i32
    %dma_start3A_19 = tpu.memref_slice %arg5[%dma_start3A_17, %dma_start3A_18] <%mul3A_12> : memref<2x10112xi32, #tpu.memory_space<vmem>> -> memref<2x?xi32, #tpu.memory_space<vmem>>
    %dma_start3A_20 = arith.constant 0 : i32
    %dma_start3A_21 = tpu.memref_slice %arg2[%dma_start3A_20, %add3A_10] <%mul3A_12> : memref<2x320000xi32, #tpu.memory_space<hbm>> -> memref<2x?xi32, #tpu.memory_space<hbm>>
    tpu.enqueue_dma source(%dma_start3A_21 : memref<2x?xi32, #tpu.memory_space<hbm>>) target(%dma_start3A_19 : memref<2x?xi32, #tpu.memory_space<vmem>>) target_semaphore(%arg8 : memref<!tpu.dma_semaphore, #tpu.memory_space<semaphore_mem>>)
    %broadcast_in_dim3A = arith.constant 0.000000e+00 : f32
    %broadcast_in_dim3A_22 = vector.broadcast %broadcast_in_dim3A : f32 to vector<16xf32>
    %scan3A = arith.constant 0 : i32
    %scan3A_23 = arith.constant 0 : i32
    %scan3A_24 = arith.constant 624 : i32
    %scan3A_25 = arith.addi %scan3A_23, %scan3A_24 : i32
    %scan3A_26 = arith.constant 8 : i32
    %scan3A_27 = scf.for %scan3A_55 = %scan3A_23 to %scan3A_25 step %scan3A_26 iter_args(%scan3A_56 = %scan3A) -> (i32)  : i32 {
      %mul3A_57 = arith.constant 16 : i32
      %mul3A_58 = arith.muli %scan3A_55, %mul3A_57 : i32
      %swap3A_59 = arith.index_cast %mul3A_58 : i32 to index
      %swap3A_60 = tpu.vector_load %arg6[%swap3A_59] {strides = array<i32>} : memref<10000xf32, #tpu.memory_space<vmem>>, vector<16xf32>,
      tpu.vector_store %arg6[%swap3A_59], %broadcast_in_dim3A_22 {strides = array<i32>} : memref<10000xf32, #tpu.memory_space<vmem>>, vector<16xf32>,
      %mul3A_61 = arith.constant 16 : i32
      %mul3A_62 = arith.muli %scan3A_55, %mul3A_61 : i32
      %swap3A_63 = arith.index_cast %mul3A_62 : i32 to index
      %swap3A_64 = tpu.vector_load %arg7[%swap3A_63] {strides = array<i32>} : memref<10000xf32, #tpu.memory_space<vmem>>, vector<16xf32>,
      tpu.vector_store %arg7[%swap3A_63], %broadcast_in_dim3A_22 {strides = array<i32>} : memref<10000xf32, #tpu.memory_space<vmem>>, vector<16xf32>,
      %scan3A_65 = arith.constant 0 : i32
      %scan3A_66 = arith.constant 1 : i32
      %scan3A_67 = arith.addi %scan3A_55, %scan3A_66 : i32
      %mul3A_68 = arith.constant 16 : i32
      %mul3A_69 = arith.muli %scan3A_67, %mul3A_68 : i32
      %swap3A_70 = arith.index_cast %mul3A_69 : i32 to index
      %swap3A_71 = tpu.vector_load %arg6[%swap3A_70] {strides = array<i32>} : memref<10000xf32, #tpu.memory_space<vmem>>, vector<16xf32>,
      tpu.vector_store %arg6[%swap3A_70], %broadcast_in_dim3A_22 {strides = array<i32>} : memref<10000xf32, #tpu.memory_space<vmem>>, vector<16xf32>,
      %mul3A_72 = arith.constant 16 : i32
      %mul3A_73 = arith.muli %scan3A_67, %mul3A_72 : i32
      %swap3A_74 = arith.index_cast %mul3A_73 : i32 to index
      %swap3A_75 = tpu.vector_load %arg7[%swap3A_74] {strides = array<i32>} : memref<10000xf32, #tpu.memory_space<vmem>>, vector<16xf32>,
      tpu.vector_store %arg7[%swap3A_74], %broadcast_in_dim3A_22 {strides = array<i32>} : memref<10000xf32, #tpu.memory_space<vmem>>, vector<16xf32>,
      %scan3A_76 = arith.constant 0 : i32
      %scan3A_77 = arith.constant 2 : i32
      %scan3A_78 = arith.addi %scan3A_55, %scan3A_77 : i32
      %mul3A_79 = arith.constant 16 : i32
      %mul3A_80 = arith.muli %scan3A_78, %mul3A_79 : i32
      %swap3A_81 = arith.index_cast %mul3A_80 : i32 to index
      %swap3A_82 = tpu.vector_load %arg6[%swap3A_81] {strides = array<i32>} : memref<10000xf32, #tpu.memory_space<vmem>>, vector<16xf32>,
      tpu.vector_store %arg6[%swap3A_81], %broadcast_in_dim3A_22 {strides = array<i32>} : memref<10000xf32, #tpu.memory_space<vmem>>, vector<16xf32>,
      %mul3A_83 = arith.constant 16 : i32
      %mul3A_84 = arith.muli %scan3A_78, %mul3A_83 : i32
      %swap3A_85 = arith.index_cast %mul3A_84 : i32 to index
      %swap3A_86 = tpu.vector_load %arg7[%swap3A_85] {strides = array<i32>} : memref<10000xf32, #tpu.memory_space<vmem>>, vector<16xf32>,
      tpu.vector_store %arg7[%swap3A_85], %broadcast_in_dim3A_22 {strides = array<i32>} : memref<10000xf32, #tpu.memory_space<vmem>>, vector<16xf32>,
      %scan3A_87 = arith.constant 0 : i32
      %scan3A_88 = arith.constant 3 : i32
      %scan3A_89 = arith.addi %scan3A_55, %scan3A_88 : i32
      %mul3A_90 = arith.constant 16 : i32
      %mul3A_91 = arith.muli %scan3A_89, %mul3A_90 : i32
      %swap3A_92 = arith.index_cast %mul3A_91 : i32 to index
      %swap3A_93 = tpu.vector_load %arg6[%swap3A_92] {strides = array<i32>} : memref<10000xf32, #tpu.memory_space<vmem>>, vector<16xf32>,
      tpu.vector_store %arg6[%swap3A_92], %broadcast_in_dim3A_22 {strides = array<i32>} : memref<10000xf32, #tpu.memory_space<vmem>>, vector<16xf32>,
      %mul3A_94 = arith.constant 16 : i32
      %mul3A_95 = arith.muli %scan3A_89, %mul3A_94 : i32
      %swap3A_96 = arith.index_cast %mul3A_95 : i32 to index
      %swap3A_97 = tpu.vector_load %arg7[%swap3A_96] {strides = array<i32>} : memref<10000xf32, #tpu.memory_space<vmem>>, vector<16xf32>,
      tpu.vector_store %arg7[%swap3A_96], %broadcast_in_dim3A_22 {strides = array<i32>} : memref<10000xf32, #tpu.memory_space<vmem>>, vector<16xf32>,
      %scan3A_98 = arith.constant 0 : i32
      %scan3A_99 = arith.constant 4 : i32
      %scan3A_100 = arith.addi %scan3A_55, %scan3A_99 : i32
      %mul3A_101 = arith.constant 16 : i32
      %mul3A_102 = arith.muli %scan3A_100, %mul3A_101 : i32
      %swap3A_103 = arith.index_cast %mul3A_102 : i32 to index
      %swap3A_104 = tpu.vector_load %arg6[%swap3A_103] {strides = array<i32>} : memref<10000xf32, #tpu.memory_space<vmem>>, vector<16xf32>,
      tpu.vector_store %arg6[%swap3A_103], %broadcast_in_dim3A_22 {strides = array<i32>} : memref<10000xf32, #tpu.memory_space<vmem>>, vector<16xf32>,
      %mul3A_105 = arith.constant 16 : i32
      %mul3A_106 = arith.muli %scan3A_100, %mul3A_105 : i32
      %swap3A_107 = arith.index_cast %mul3A_106 : i32 to index
      %swap3A_108 = tpu.vector_load %arg7[%swap3A_107] {strides = array<i32>} : memref<10000xf32, #tpu.memory_space<vmem>>, vector<16xf32>,
      tpu.vector_store %arg7[%swap3A_107], %broadcast_in_dim3A_22 {strides = array<i32>} : memref<10000xf32, #tpu.memory_space<vmem>>, vector<16xf32>,
      %scan3A_109 = arith.constant 0 : i32
      %scan3A_110 = arith.constant 5 : i32
      %scan3A_111 = arith.addi %scan3A_55, %scan3A_110 : i32
      %mul3A_112 = arith.constant 16 : i32
      %mul3A_113 = arith.muli %scan3A_111, %mul3A_112 : i32
      %swap3A_114 = arith.index_cast %mul3A_113 : i32 to index
      %swap3A_115 = tpu.vector_load %arg6[%swap3A_114] {strides = array<i32>} : memref<10000xf32, #tpu.memory_space<vmem>>, vector<16xf32>,
      tpu.vector_store %arg6[%swap3A_114], %broadcast_in_dim3A_22 {strides = array<i32>} : memref<10000xf32, #tpu.memory_space<vmem>>, vector<16xf32>,
      %mul3A_116 = arith.constant 16 : i32
      %mul3A_117 = arith.muli %scan3A_111, %mul3A_116 : i32
      %swap3A_118 = arith.index_cast %mul3A_117 : i32 to index
      %swap3A_119 = tpu.vector_load %arg7[%swap3A_118] {strides = array<i32>} : memref<10000xf32, #tpu.memory_space<vmem>>, vector<16xf32>,
      tpu.vector_store %arg7[%swap3A_118], %broadcast_in_dim3A_22 {strides = array<i32>} : memref<10000xf32, #tpu.memory_space<vmem>>, vector<16xf32>,
      %scan3A_120 = arith.constant 0 : i32
      %scan3A_121 = arith.constant 6 : i32
      %scan3A_122 = arith.addi %scan3A_55, %scan3A_121 : i32
      %mul3A_123 = arith.constant 16 : i32
      %mul3A_124 = arith.muli %scan3A_122, %mul3A_123 : i32
      %swap3A_125 = arith.index_cast %mul3A_124 : i32 to index
      %swap3A_126 = tpu.vector_load %arg6[%swap3A_125] {strides = array<i32>} : memref<10000xf32, #tpu.memory_space<vmem>>, vector<16xf32>,
      tpu.vector_store %arg6[%swap3A_125], %broadcast_in_dim3A_22 {strides = array<i32>} : memref<10000xf32, #tpu.memory_space<vmem>>, vector<16xf32>,
      %mul3A_127 = arith.constant 16 : i32
      %mul3A_128 = arith.muli %scan3A_122, %mul3A_127 : i32
      %swap3A_129 = arith.index_cast %mul3A_128 : i32 to index
      %swap3A_130 = tpu.vector_load %arg7[%swap3A_129] {strides = array<i32>} : memref<10000xf32, #tpu.memory_space<vmem>>, vector<16xf32>,
      tpu.vector_store %arg7[%swap3A_129], %broadcast_in_dim3A_22 {strides = array<i32>} : memref<10000xf32, #tpu.memory_space<vmem>>, vector<16xf32>,
      %scan3A_131 = arith.constant 0 : i32
      %scan3A_132 = arith.constant 7 : i32
      %scan3A_133 = arith.addi %scan3A_55, %scan3A_132 : i32
      %mul3A_134 = arith.constant 16 : i32
      %mul3A_135 = arith.muli %scan3A_133, %mul3A_134 : i32
      %swap3A_136 = arith.index_cast %mul3A_135 : i32 to index
      %swap3A_137 = tpu.vector_load %arg6[%swap3A_136] {strides = array<i32>} : memref<10000xf32, #tpu.memory_space<vmem>>, vector<16xf32>,
      tpu.vector_store %arg6[%swap3A_136], %broadcast_in_dim3A_22 {strides = array<i32>} : memref<10000xf32, #tpu.memory_space<vmem>>, vector<16xf32>,
      %mul3A_138 = arith.constant 16 : i32
      %mul3A_139 = arith.muli %scan3A_133, %mul3A_138 : i32
      %swap3A_140 = arith.index_cast %mul3A_139 : i32 to index
      %swap3A_141 = tpu.vector_load %arg7[%swap3A_140] {strides = array<i32>} : memref<10000xf32, #tpu.memory_space<vmem>>, vector<16xf32>,
      tpu.vector_store %arg7[%swap3A_140], %broadcast_in_dim3A_22 {strides = array<i32>} : memref<10000xf32, #tpu.memory_space<vmem>>, vector<16xf32>,
      %scan3A_142 = arith.constant 0 : i32
      scf.yield %scan3A_142 : i32
    }
    %scan3A_28 = arith.constant 624 : i32
    %scan3A_29 = arith.addi %scan3A_23, %scan3A_28 : i32
    %mul3A_30 = arith.constant 16 : i32
    %mul3A_31 = arith.muli %scan3A_29, %mul3A_30 : i32
    %swap3A = arith.index_cast %mul3A_31 : i32 to index
    %swap3A_32 = tpu.vector_load %arg6[%swap3A] {strides = array<i32>} : memref<10000xf32, #tpu.memory_space<vmem>>, vector<16xf32>,
    tpu.vector_store %arg6[%swap3A], %broadcast_in_dim3A_22 {strides = array<i32>} : memref<10000xf32, #tpu.memory_space<vmem>>, vector<16xf32>,
    %mul3A_33 = arith.constant 16 : i32
    %mul3A_34 = arith.muli %scan3A_29, %mul3A_33 : i32
    %swap3A_35 = arith.index_cast %mul3A_34 : i32 to index
    %swap3A_36 = tpu.vector_load %arg7[%swap3A_35] {strides = array<i32>} : memref<10000xf32, #tpu.memory_space<vmem>>, vector<16xf32>,
    tpu.vector_store %arg7[%swap3A_35], %broadcast_in_dim3A_22 {strides = array<i32>} : memref<10000xf32, #tpu.memory_space<vmem>>, vector<16xf32>,
    %scan3A_37 = arith.constant 0 : i32
    %scan3A_38 = arith.constant 625 : i32
    %dma_wait3A = arith.constant 0 : i32
    %dma_wait3A_39 = arith.constant 0 : i32
    %dma_wait3A_40 = tpu.memref_slice %arg5[%dma_wait3A, %dma_wait3A_39] <%mul3A_12> : memref<2x10112xi32, #tpu.memory_space<vmem>> -> memref<2x?xi32, #tpu.memory_space<vmem>>
    %dma_wait3A_41 = arith.constant 0 : i32
    %dma_wait3A_42 = tpu.memref_slice %arg2[%dma_wait3A_41, %add3A_10] <%mul3A_12> : memref<2x320000xi32, #tpu.memory_space<hbm>> -> memref<2x?xi32, #tpu.memory_space<hbm>>
    %dma_wait3A_43 = arith.constant 0 : i32
    %dma_wait3A_44 = arith.constant 0 : i32
    %dma_wait3A_45 = tpu.memref_slice %arg5[%dma_wait3A_43, %dma_wait3A_44] <%mul3A_12> : memref<2x10112xi32, #tpu.memory_space<vmem>> -> memref<2x?xi32, #tpu.memory_space<vmem>>
    %dma_wait3A_46 = arith.constant 0 : i32
    %dma_wait3A_47 = tpu.memref_slice %arg2[%dma_wait3A_46, %add3A_10] <%mul3A_12> : memref<2x320000xi32, #tpu.memory_space<hbm>> -> memref<2x?xi32, #tpu.memory_space<hbm>>
    tpu.wait_dma2 semaphore(%arg8 : memref<!tpu.dma_semaphore, #tpu.memory_space<semaphore_mem>>) src(%dma_wait3A_47 : memref<2x?xi32, #tpu.memory_space<hbm>>) dst(%dma_wait3A_45 : memref<2x?xi32, #tpu.memory_space<vmem>>)
    %broadcast_in_dim3A_48 = arith.constant 1.000000e+00 : f32
    %broadcast_in_dim3A_49 = vector.broadcast %broadcast_in_dim3A_48 : f32 to vector<16xf32>
    %parallel_loop3A = arith.constant 0 : i32
    %parallel_loop3A_50 = arith.constant 9984 : i32
    %parallel_loop3A_51 = arith.constant 16 : i32
    scf.for %parallel_loop3A_55 = %parallel_loop3A to %parallel_loop3A_50 step %parallel_loop3A_51  : i32 {
      %parallel_loop3A_56 = arith.constant 0 : i32
      %parallel_loop3A_57 = arith.index_cast %parallel_loop3A_56 : i32 to index
      %parallel_loop3A_58 = arith.index_cast %parallel_loop3A_55 : i32 to index
      %parallel_loop3A_59 = tpu.vector_load %arg5[%parallel_loop3A_57, %parallel_loop3A_58] {strides = array<i32>} : memref<2x10112xi32, #tpu.memory_space<vmem>>, vector<16xi32>,
      %parallel_loop3A_60 = arith.constant 1 : i32
      %parallel_loop3A_61 = arith.index_cast %parallel_loop3A_60 : i32 to index
      %parallel_loop3A_62 = arith.index_cast %parallel_loop3A_55 : i32 to index
      %parallel_loop3A_63 = tpu.vector_load %arg5[%parallel_loop3A_61, %parallel_loop3A_62] {strides = array<i32>} : memref<2x10112xi32, #tpu.memory_space<vmem>>, vector<16xi32>,
      tpu.vector_store_idx %arg6[%parallel_loop3A_63], %broadcast_in_dim3A_49 {add = true} : memref<10000xf32, #tpu.memory_space<vmem>>[vector<16xi32>], vector<16xf32>,
      %parallel_loop3A_64 = arith.constant 0 : i32
      %parallel_loop3A_65 = vector.broadcast %parallel_loop3A_64 : i32 to vector<16xi32>
      %parallel_loop3A_66 = arith.cmpi eq, %parallel_loop3A_63, %parallel_loop3A_65 : vector<16xi32>
      tpu.vector_store_idx %arg7[%parallel_loop3A_59], %broadcast_in_dim3A_49 masked %parallel_loop3A_66 {add = true} : memref<10000xf32, #tpu.memory_space<vmem>>[vector<16xi32>], vector<16xf32>, vector<16xi1>
    } {sc.loop_unroll_factor = 8 : i64, sc.parallel_access}
    %lt3A_52 = arith.constant 4 : i32
    %lt3A_53 = arith.cmpi slt, %add3A, %lt3A_52 : i32
    %convert_element_type3A = arith.extui %lt3A_53 : i1 to i32
    %cond3A = arith.constant 0 : i32
    %cond3A_54 = arith.cmpi ne, %convert_element_type3A, %cond3A : i32
    scf.if %cond3A_54 {
      %parallel_loop3A_55 = arith.constant 9984 : i32
      %parallel_loop3A_56 = arith.constant 10112 : i32
      %parallel_loop3A_57 = arith.constant 16 : i32
      scf.for %parallel_loop3A_58 = %parallel_loop3A_55 to %parallel_loop3A_56 step %parallel_loop3A_57  : i32 {
        %parallel_loop3A_59 = arith.constant 0 : i32
        %parallel_loop3A_60 = arith.index_cast %parallel_loop3A_59 : i32 to index
        %parallel_loop3A_61 = arith.index_cast %parallel_loop3A_58 : i32 to index
        %parallel_loop3A_62 = tpu.vector_load %arg5[%parallel_loop3A_60, %parallel_loop3A_61] {strides = array<i32>} : memref<2x10112xi32, #tpu.memory_space<vmem>>, vector<16xi32>,
        %parallel_loop3A_63 = arith.constant 1 : i32
        %parallel_loop3A_64 = arith.index_cast %parallel_loop3A_63 : i32 to index
        %parallel_loop3A_65 = arith.index_cast %parallel_loop3A_58 : i32 to index
        %parallel_loop3A_66 = tpu.vector_load %arg5[%parallel_loop3A_64, %parallel_loop3A_65] {strides = array<i32>} : memref<2x10112xi32, #tpu.memory_space<vmem>>, vector<16xi32>,
        tpu.vector_store_idx %arg6[%parallel_loop3A_66], %broadcast_in_dim3A_49 {add = true} : memref<10000xf32, #tpu.memory_space<vmem>>[vector<16xi32>], vector<16xf32>,
        %parallel_loop3A_67 = arith.constant 0 : i32
        %parallel_loop3A_68 = vector.broadcast %parallel_loop3A_67 : i32 to vector<16xi32>
        %parallel_loop3A_69 = arith.cmpi eq, %parallel_loop3A_66, %parallel_loop3A_68 : vector<16xi32>
        tpu.vector_store_idx %arg7[%parallel_loop3A_62], %broadcast_in_dim3A_49 masked %parallel_loop3A_69 {add = true} : memref<10000xf32, #tpu.memory_space<vmem>>[vector<16xi32>], vector<16xf32>, vector<16xi1>
      } {sc.loop_unroll_factor = 8 : i64, sc.parallel_access}
    } else {
    }
    "tpu.region"() ({
      %run_scoped3A = tpu.sem_alloc : memref<!tpu.dma_semaphore, #tpu.memory_space<semaphore_mem>>
      %dma_start3A_55 = arith.constant 0 : i32
      %dma_start3A_56 = tpu.memref_slice %arg3[%add3A, %dma_start3A_55] : memref<32x10000xf32, #tpu.memory_space<hbm>> -> memref<1x10000xf32, #tpu.memory_space<hbm>>
      %dma_start3A_57 = tpu.memref_squeeze %dma_start3A_56 : memref<1x10000xf32, #tpu.memory_space<hbm>> -> memref<10000xf32, #tpu.memory_space<hbm>>
      %dma_start3A_58 = arith.constant 0 : i32
      %dma_start3A_59 = tpu.memref_slice %arg3[%add3A, %dma_start3A_58] : memref<32x10000xf32, #tpu.memory_space<hbm>> -> memref<1x10000xf32, #tpu.memory_space<hbm>>
      %dma_start3A_60 = tpu.memref_squeeze %dma_start3A_59 : memref<1x10000xf32, #tpu.memory_space<hbm>> -> memref<10000xf32, #tpu.memory_space<hbm>>
      tpu.enqueue_dma source(%arg6 : memref<10000xf32, #tpu.memory_space<vmem>>) target(%dma_start3A_60 : memref<10000xf32, #tpu.memory_space<hbm>>) target_semaphore(%run_scoped3A : memref<!tpu.dma_semaphore, #tpu.memory_space<semaphore_mem>>)
      %dma_wait3A_61 = arith.constant 0 : i32
      %dma_wait3A_62 = tpu.memref_slice %arg3[%add3A, %dma_wait3A_61] : memref<32x10000xf32, #tpu.memory_space<hbm>> -> memref<1x10000xf32, #tpu.memory_space<hbm>>
      %dma_wait3A_63 = tpu.memref_squeeze %dma_wait3A_62 : memref<1x10000xf32, #tpu.memory_space<hbm>> -> memref<10000xf32, #tpu.memory_space<hbm>>
      %dma_wait3A_64 = arith.constant 0 : i32
      %dma_wait3A_65 = tpu.memref_slice %arg3[%add3A, %dma_wait3A_64] : memref<32x10000xf32, #tpu.memory_space<hbm>> -> memref<1x10000xf32, #tpu.memory_space<hbm>>
      %dma_wait3A_66 = tpu.memref_squeeze %dma_wait3A_65 : memref<1x10000xf32, #tpu.memory_space<hbm>> -> memref<10000xf32, #tpu.memory_space<hbm>>
      tpu.wait_dma2 semaphore(%run_scoped3A : memref<!tpu.dma_semaphore, #tpu.memory_space<semaphore_mem>>) src(%arg6 : memref<10000xf32, #tpu.memory_space<vmem>>) dst(%dma_wait3A_66 : memref<10000xf32, #tpu.memory_space<hbm>>)
      tpu.yield
    }) : () -> ()
    "tpu.region"() ({
      %run_scoped3A = tpu.sem_alloc : memref<!tpu.dma_semaphore, #tpu.memory_space<semaphore_mem>>
      %dma_start3A_55 = arith.constant 0 : i32
      %dma_start3A_56 = tpu.memref_slice %arg4[%add3A, %dma_start3A_55] : memref<32x10000xf32, #tpu.memory_space<hbm>> -> memref<1x10000xf32, #tpu.memory_space<hbm>>
      %dma_start3A_57 = tpu.memref_squeeze %dma_start3A_56 : memref<1x10000xf32, #tpu.memory_space<hbm>> -> memref<10000xf32, #tpu.memory_space<hbm>>
      %dma_start3A_58 = arith.constant 0 : i32
      %dma_start3A_59 = tpu.memref_slice %arg4[%add3A, %dma_start3A_58] : memref<32x10000xf32, #tpu.memory_space<hbm>> -> memref<1x10000xf32, #tpu.memory_space<hbm>>
      %dma_start3A_60 = tpu.memref_squeeze %dma_start3A_59 : memref<1x10000xf32, #tpu.memory_space<hbm>> -> memref<10000xf32, #tpu.memory_space<hbm>>
      tpu.enqueue_dma source(%arg7 : memref<10000xf32, #tpu.memory_space<vmem>>) target(%dma_start3A_60 : memref<10000xf32, #tpu.memory_space<hbm>>) target_semaphore(%run_scoped3A : memref<!tpu.dma_semaphore, #tpu.memory_space<semaphore_mem>>)
      %dma_wait3A_61 = arith.constant 0 : i32
      %dma_wait3A_62 = tpu.memref_slice %arg4[%add3A, %dma_wait3A_61] : memref<32x10000xf32, #tpu.memory_space<hbm>> -> memref<1x10000xf32, #tpu.memory_space<hbm>>
      %dma_wait3A_63 = tpu.memref_squeeze %dma_wait3A_62 : memref<1x10000xf32, #tpu.memory_space<hbm>> -> memref<10000xf32, #tpu.memory_space<hbm>>
      %dma_wait3A_64 = arith.constant 0 : i32
      %dma_wait3A_65 = tpu.memref_slice %arg4[%add3A, %dma_wait3A_64] : memref<32x10000xf32, #tpu.memory_space<hbm>> -> memref<1x10000xf32, #tpu.memory_space<hbm>>
      %dma_wait3A_66 = tpu.memref_squeeze %dma_wait3A_65 : memref<1x10000xf32, #tpu.memory_space<hbm>> -> memref<10000xf32, #tpu.memory_space<hbm>>
      tpu.wait_dma2 semaphore(%run_scoped3A : memref<!tpu.dma_semaphore, #tpu.memory_space<semaphore_mem>>) src(%arg7 : memref<10000xf32, #tpu.memory_space<vmem>>) dst(%dma_wait3A_66 : memref<10000xf32, #tpu.memory_space<hbm>>)
      tpu.yield
    }) : () -> ()
    return
  }
}

module attributes {stable_mosaic.version = 14 : i64} {
  func.func @_tc_head_body(%arg0: memref<10000x128xf32, #tpu.memory_space<vmem>>, %arg1: memref<32x10000xf32, #tpu.memory_space<vmem>>, %arg2: memref<32x10000xf32, #tpu.memory_space<vmem>>, %arg3: memref<128x256xf32, #tpu.memory_space<vmem>>, %arg4: memref<1x256xf32, #tpu.memory_space<vmem>>, %arg5: memref<256x256xf32, #tpu.memory_space<vmem>>, %arg6: memref<1x256xf32, #tpu.memory_space<vmem>>, %arg7: memref<1x256xf32, #tpu.memory_space<vmem>>, %arg8: memref<1x256xf32, #tpu.memory_space<vmem>>, %arg9: memref<256x128xf32, #tpu.memory_space<vmem>>, %arg10: memref<1x128xf32, #tpu.memory_space<vmem>>, %arg11: memref<1x128xf32, #tpu.memory_space<vmem>>, %arg12: memref<1x128xf32, #tpu.memory_space<vmem>>, %arg13: memref<128x64xf32, #tpu.memory_space<vmem>>, %arg14: memref<1x64xf32, #tpu.memory_space<vmem>>, %arg15: memref<1x64xf32, #tpu.memory_space<vmem>>) attributes {dimension_semantics = [], scalar_prefetch = 0 : i64, scratch_operands = 0 : i64, tpu.core_type = #tpu.core_type<tc>} {
    %get3A = arith.constant 0 : index
    %get3A_0 = arith.constant 0 : index
    %get3A_1 = vector.load %arg1[%get3A, %get3A_0] : memref<32x10000xf32, #tpu.memory_space<vmem>>, vector<32x10000xf32>
    %reduce_sum3A = arith.constant dense<0.000000e+00> : vector<10000xf32>
    %reduce_sum3A_2 = vector.multi_reduction <add>, %get3A_1, %reduce_sum3A [0] : vector<32x10000xf32> to vector<10000xf32>
    %broadcast_in_dim3A = vector.shape_cast %reduce_sum3A_2 : vector<10000xf32> to vector<1x10000xf32>
    %add3A = arith.constant 1.000000e+00 : f32
    %add3A_3 = vector.broadcast %add3A : f32 to vector<1x10000xf32>
    %add3A_4 = arith.addf %broadcast_in_dim3A, %add3A_3 : vector<1x10000xf32>
    %get3A_5 = arith.constant 0 : index
    %get3A_6 = arith.constant 0 : index
    %get3A_7 = vector.load %arg2[%get3A_5, %get3A_6] : memref<32x10000xf32, #tpu.memory_space<vmem>>, vector<32x10000xf32>
    %reduce_sum3A_8 = arith.constant dense<0.000000e+00> : vector<10000xf32>
    %reduce_sum3A_9 = vector.multi_reduction <add>, %get3A_7, %reduce_sum3A_8 [0] : vector<32x10000xf32> to vector<10000xf32>
    %broadcast_in_dim3A_10 = vector.shape_cast %reduce_sum3A_9 : vector<10000xf32> to vector<1x10000xf32>
    %rsqrt3A = math.rsqrt %add3A_4 : vector<1x10000xf32>
    %iota3A = tpu.iota {dimensions = array<i32: 1>} : vector<1x10000xi32>
    %eq3A = arith.constant 0 : i32
    %eq3A_11 = vector.broadcast %eq3A : i32 to vector<1x10000xi32>
    %eq3A_12 = arith.cmpi eq, %iota3A, %eq3A_11 : vector<1x10000xi32>
    %jit3A = arith.constant 0.000000e+00 : f32
    %broadcast_in_dim3A_13 = vector.broadcast %jit3A : f32 to vector<1x10000xf32>
    %select_n3A = arith.select %eq3A_12, %rsqrt3A, %broadcast_in_dim3A_13 : vector<1x10000xi1>, vector<1x10000xf32>
    %reduce_sum3A_14 = vector.shape_cast %select_n3A : vector<1x10000xf32> to vector<1x1x10000xf32>
    %reduce_sum3A_15 = arith.constant dense<0.000000e+00> : vector<1xf32>
    %reduce_sum3A_16 = vector.multi_reduction <add>, %reduce_sum3A_14, %reduce_sum3A_15 [1, 2] : vector<1x1x10000xf32> to vector<1xf32>
    %reduce_sum3A_17 = vector.shape_cast %reduce_sum3A_16 : vector<1xf32> to vector<1x1x1xf32>
    %reduce_sum3A_18 = vector.extract %reduce_sum3A_17[0, 0, 0] : f32 from vector<1x1x1xf32>
    %mul3A = arith.mulf %broadcast_in_dim3A_10, %rsqrt3A : vector<1x10000xf32>
    %mul3A_19 = vector.broadcast %reduce_sum3A_18 : f32 to vector<1x10000xf32>
    %mul3A_20 = arith.mulf %mul3A_19, %mul3A : vector<1x10000xf32>
    %mul3A_21 = arith.mulf %reduce_sum3A_18, %reduce_sum3A_18 : f32
    %jit3A_22 = arith.constant 1.000000e+00 : f32
    %jit3A_23 = arith.constant 0.000000e+00 : f32
    %broadcast_in_dim3A_24 = vector.broadcast %jit3A_22 : f32 to vector<1x10000xf32>
    %broadcast_in_dim3A_25 = vector.broadcast %jit3A_23 : f32 to vector<1x10000xf32>
    %select_n3A_26 = arith.select %eq3A_12, %broadcast_in_dim3A_24, %broadcast_in_dim3A_25 : vector<1x10000xi1>, vector<1x10000xf32>
    %mul3A_27 = vector.broadcast %mul3A_21 : f32 to vector<1x10000xf32>
    %mul3A_28 = arith.mulf %mul3A_27, %select_n3A_26 : vector<1x10000xf32>
    %add3A_29 = arith.addf %mul3A_20, %mul3A_28 : vector<1x10000xf32>
    %get3A_30 = arith.constant 0 : index
    %get3A_31 = arith.constant 0 : index
    %get3A_32 = vector.load %arg0[%get3A_30, %get3A_31] : memref<10000x128xf32, #tpu.memory_space<vmem>>, vector<10000x128xf32>
    %dot_general3A = arith.constant dense<0.000000e+00> : vector<1x128xf32>
    %dot_general3A_33 = tpu.matmul %add3A_29, %get3A_32, %dot_general3A {dimension_numbers = #tpu.dot_dimension_numbers<[1], [0], [0], [1], [0, 0, 1, 1], [], []>, transpose_lhs_hint = false} : vector<1x10000xf32>, vector<10000x128xf32>, vector<1x128xf32> -> vector<1x128xf32>
    %get3A_34 = arith.constant 0 : index
    %get3A_35 = arith.constant 0 : index
    %get3A_36 = vector.load %arg3[%get3A_34, %get3A_35] : memref<128x256xf32, #tpu.memory_space<vmem>>, vector<128x256xf32>
    %dot_general3A_37 = arith.constant dense<0.000000e+00> : vector<1x256xf32>
    %dot_general3A_38 = tpu.matmul %dot_general3A_33, %get3A_36, %dot_general3A_37 {dimension_numbers = #tpu.dot_dimension_numbers<[1], [0], [0], [1], [0, 0, 1, 1], [], []>, transpose_lhs_hint = false} : vector<1x128xf32>, vector<128x256xf32>, vector<1x256xf32> -> vector<1x256xf32>
    %get3A_39 = arith.constant 0 : index
    %get3A_40 = arith.constant 0 : index
    %get3A_41 = vector.load %arg4[%get3A_39, %get3A_40] : memref<1x256xf32, #tpu.memory_space<vmem>>, vector<1x256xf32>
    %add3A_42 = arith.addf %dot_general3A_38, %get3A_41 : vector<1x256xf32>
    %max3A = arith.constant 0.000000e+00 : f32
    %max3A_43 = vector.broadcast %max3A : f32 to vector<1x256xf32>
    %max3A_44 = arith.maximumf %add3A_42, %max3A_43 : vector<1x256xf32>
    %get3A_45 = arith.constant 0 : index
    %get3A_46 = arith.constant 0 : index
    %get3A_47 = vector.load %arg5[%get3A_45, %get3A_46] : memref<256x256xf32, #tpu.memory_space<vmem>>, vector<256x256xf32>
    %dot_general3A_48 = arith.constant dense<0.000000e+00> : vector<1x256xf32>
    %dot_general3A_49 = tpu.matmul %max3A_44, %get3A_47, %dot_general3A_48 {dimension_numbers = #tpu.dot_dimension_numbers<[1], [0], [0], [1], [0, 0, 1, 1], [], []>, transpose_lhs_hint = false} : vector<1x256xf32>, vector<256x256xf32>, vector<1x256xf32> -> vector<1x256xf32>
    %get3A_50 = arith.constant 0 : index
    %get3A_51 = arith.constant 0 : index
    %get3A_52 = vector.load %arg6[%get3A_50, %get3A_51] : memref<1x256xf32, #tpu.memory_space<vmem>>, vector<1x256xf32>
    %add3A_53 = arith.addf %dot_general3A_49, %get3A_52 : vector<1x256xf32>
    %reduce_sum3A_54 = arith.constant dense<0.000000e+00> : vector<1xf32>
    %reduce_sum3A_55 = vector.multi_reduction <add>, %add3A_53, %reduce_sum3A_54 [1] : vector<1x256xf32> to vector<1xf32>
    %broadcast_in_dim3A_56 = vector.shape_cast %reduce_sum3A_55 : vector<1xf32> to vector<1x1xf32>
    %div3A = arith.constant 2.560000e+02 : f32
    %div3A_57 = vector.broadcast %div3A : f32 to vector<1x1xf32>
    %div3A_58 = arith.divf %broadcast_in_dim3A_56, %div3A_57 : vector<1x1xf32>
    %sub3A = vector.broadcast %div3A_58 : vector<1x1xf32> to vector<1x256xf32>
    %sub3A_59 = arith.subf %add3A_53, %sub3A : vector<1x256xf32>
    %integer_pow3A = arith.mulf %sub3A_59, %sub3A_59 : vector<1x256xf32>
    %reduce_sum3A_60 = arith.constant dense<0.000000e+00> : vector<1xf32>
    %reduce_sum3A_61 = vector.multi_reduction <add>, %integer_pow3A, %reduce_sum3A_60 [1] : vector<1x256xf32> to vector<1xf32>
    %broadcast_in_dim3A_62 = vector.shape_cast %reduce_sum3A_61 : vector<1xf32> to vector<1x1xf32>
    %div3A_63 = arith.constant 2.560000e+02 : f32
    %div3A_64 = vector.broadcast %div3A_63 : f32 to vector<1x1xf32>
    %div3A_65 = arith.divf %broadcast_in_dim3A_62, %div3A_64 : vector<1x1xf32>
    %sub3A_66 = vector.broadcast %div3A_58 : vector<1x1xf32> to vector<1x256xf32>
    %sub3A_67 = arith.subf %add3A_53, %sub3A_66 : vector<1x256xf32>
    %add3A_68 = arith.constant 9.99999974E-6 : f32
    %add3A_69 = vector.broadcast %add3A_68 : f32 to vector<1x1xf32>
    %add3A_70 = arith.addf %div3A_65, %add3A_69 : vector<1x1xf32>
    %rsqrt3A_71 = math.rsqrt %add3A_70 : vector<1x1xf32>
    %mul3A_72 = vector.broadcast %rsqrt3A_71 : vector<1x1xf32> to vector<1x256xf32>
    %mul3A_73 = arith.mulf %sub3A_67, %mul3A_72 : vector<1x256xf32>
    %get3A_74 = arith.constant 0 : index
    %get3A_75 = arith.constant 0 : index
    %get3A_76 = vector.load %arg7[%get3A_74, %get3A_75] : memref<1x256xf32, #tpu.memory_space<vmem>>, vector<1x256xf32>
    %mul3A_77 = arith.mulf %mul3A_73, %get3A_76 : vector<1x256xf32>
    %get3A_78 = arith.constant 0 : index
    %get3A_79 = arith.constant 0 : index
    %get3A_80 = vector.load %arg8[%get3A_78, %get3A_79] : memref<1x256xf32, #tpu.memory_space<vmem>>, vector<1x256xf32>
    %add3A_81 = arith.addf %mul3A_77, %get3A_80 : vector<1x256xf32>
    %max3A_82 = arith.constant 0.000000e+00 : f32
    %max3A_83 = vector.broadcast %max3A_82 : f32 to vector<1x256xf32>
    %max3A_84 = arith.maximumf %add3A_81, %max3A_83 : vector<1x256xf32>
    %get3A_85 = arith.constant 0 : index
    %get3A_86 = arith.constant 0 : index
    %get3A_87 = vector.load %arg9[%get3A_85, %get3A_86] : memref<256x128xf32, #tpu.memory_space<vmem>>, vector<256x128xf32>
    %dot_general3A_88 = arith.constant dense<0.000000e+00> : vector<1x128xf32>
    %dot_general3A_89 = tpu.matmul %max3A_84, %get3A_87, %dot_general3A_88 {dimension_numbers = #tpu.dot_dimension_numbers<[1], [0], [0], [1], [0, 0, 1, 1], [], []>, transpose_lhs_hint = false} : vector<1x256xf32>, vector<256x128xf32>, vector<1x128xf32> -> vector<1x128xf32>
    %get3A_90 = arith.constant 0 : index
    %get3A_91 = arith.constant 0 : index
    %get3A_92 = vector.load %arg10[%get3A_90, %get3A_91] : memref<1x128xf32, #tpu.memory_space<vmem>>, vector<1x128xf32>
    %add3A_93 = arith.addf %dot_general3A_89, %get3A_92 : vector<1x128xf32>
    %reduce_sum3A_94 = arith.constant dense<0.000000e+00> : vector<1xf32>
    %reduce_sum3A_95 = vector.multi_reduction <add>, %add3A_93, %reduce_sum3A_94 [1] : vector<1x128xf32> to vector<1xf32>
    %broadcast_in_dim3A_96 = vector.shape_cast %reduce_sum3A_95 : vector<1xf32> to vector<1x1xf32>
    %div3A_97 = arith.constant 1.280000e+02 : f32
    %div3A_98 = vector.broadcast %div3A_97 : f32 to vector<1x1xf32>
    %div3A_99 = arith.divf %broadcast_in_dim3A_96, %div3A_98 : vector<1x1xf32>
    %sub3A_100 = vector.broadcast %div3A_99 : vector<1x1xf32> to vector<1x128xf32>
    %sub3A_101 = arith.subf %add3A_93, %sub3A_100 : vector<1x128xf32>
    %integer_pow3A_102 = arith.mulf %sub3A_101, %sub3A_101 : vector<1x128xf32>
    %reduce_sum3A_103 = arith.constant dense<0.000000e+00> : vector<1xf32>
    %reduce_sum3A_104 = vector.multi_reduction <add>, %integer_pow3A_102, %reduce_sum3A_103 [1] : vector<1x128xf32> to vector<1xf32>
    %broadcast_in_dim3A_105 = vector.shape_cast %reduce_sum3A_104 : vector<1xf32> to vector<1x1xf32>
    %div3A_106 = arith.constant 1.280000e+02 : f32
    %div3A_107 = vector.broadcast %div3A_106 : f32 to vector<1x1xf32>
    %div3A_108 = arith.divf %broadcast_in_dim3A_105, %div3A_107 : vector<1x1xf32>
    %sub3A_109 = vector.broadcast %div3A_99 : vector<1x1xf32> to vector<1x128xf32>
    %sub3A_110 = arith.subf %add3A_93, %sub3A_109 : vector<1x128xf32>
    %add3A_111 = arith.constant 9.99999974E-6 : f32
    %add3A_112 = vector.broadcast %add3A_111 : f32 to vector<1x1xf32>
    %add3A_113 = arith.addf %div3A_108, %add3A_112 : vector<1x1xf32>
    %rsqrt3A_114 = math.rsqrt %add3A_113 : vector<1x1xf32>
    %mul3A_115 = vector.broadcast %rsqrt3A_114 : vector<1x1xf32> to vector<1x128xf32>
    %mul3A_116 = arith.mulf %sub3A_110, %mul3A_115 : vector<1x128xf32>
    %get3A_117 = arith.constant 0 : index
    %get3A_118 = arith.constant 0 : index
    %get3A_119 = vector.load %arg11[%get3A_117, %get3A_118] : memref<1x128xf32, #tpu.memory_space<vmem>>, vector<1x128xf32>
    %mul3A_120 = arith.mulf %mul3A_116, %get3A_119 : vector<1x128xf32>
    %get3A_121 = arith.constant 0 : index
    %get3A_122 = arith.constant 0 : index
    %get3A_123 = vector.load %arg12[%get3A_121, %get3A_122] : memref<1x128xf32, #tpu.memory_space<vmem>>, vector<1x128xf32>
    %add3A_124 = arith.addf %mul3A_120, %get3A_123 : vector<1x128xf32>
    %max3A_125 = arith.constant 0.000000e+00 : f32
    %max3A_126 = vector.broadcast %max3A_125 : f32 to vector<1x128xf32>
    %max3A_127 = arith.maximumf %add3A_124, %max3A_126 : vector<1x128xf32>
    %get3A_128 = arith.constant 0 : index
    %get3A_129 = arith.constant 0 : index
    %get3A_130 = vector.load %arg13[%get3A_128, %get3A_129] : memref<128x64xf32, #tpu.memory_space<vmem>>, vector<128x64xf32>
    %dot_general3A_131 = arith.constant dense<0.000000e+00> : vector<1x64xf32>
    %dot_general3A_132 = tpu.matmul %max3A_127, %get3A_130, %dot_general3A_131 {dimension_numbers = #tpu.dot_dimension_numbers<[1], [0], [0], [1], [0, 0, 1, 1], [], []>, transpose_lhs_hint = false} : vector<1x128xf32>, vector<128x64xf32>, vector<1x64xf32> -> vector<1x64xf32>
    %get3A_133 = arith.constant 0 : index
    %get3A_134 = arith.constant 0 : index
    %get3A_135 = vector.load %arg14[%get3A_133, %get3A_134] : memref<1x64xf32, #tpu.memory_space<vmem>>, vector<1x64xf32>
    %add3A_136 = arith.addf %dot_general3A_132, %get3A_135 : vector<1x64xf32>
    %logistic3A = arith.negf %add3A_136 : vector<1x64xf32>
    %logistic3A_137 = math.exp %logistic3A : vector<1x64xf32>
    %logistic3A_138 = arith.constant 1.000000e+00 : f32
    %logistic3A_139 = vector.broadcast %logistic3A_138 : f32 to vector<1x64xf32>
    %logistic3A_140 = arith.addf %logistic3A_139, %logistic3A_137 : vector<1x64xf32>
    %logistic3A_141 = arith.divf %logistic3A_139, %logistic3A_140 : vector<1x64xf32>
    %swap3A = arith.constant 0 : index
    %swap3A_142 = arith.constant 0 : index
    %swap3A_143 = vector.load %arg15[%swap3A, %swap3A_142] : memref<1x64xf32, #tpu.memory_space<vmem>>, vector<1x64xf32>
    tpu.vector_store %arg15[%swap3A, %swap3A_142], %logistic3A_141 {strides = array<i32>} : memref<1x64xf32, #tpu.memory_space<vmem>>, vector<1x64xf32>,
    return
  }
}

</mosaic_0001>

<sc_bundles>
// kernel: kernel.4.cloned.1.call-start
scs
__scs_entry_jumppad:
0x0: {  	(pc) =	sbr.rel $0x88, $3  }
0x1: {  	(tag) =	ssettag $0x0;
	lr =	simm.s32 $0x1  }
0x2: {  	[smem:$0x3F93] =	sst lr;
	_ =	strace $0xD0000000  }
0x3: {  	_ = 	snop  }
0x4: {  	_ = 	snop  }
0x5: {  	_ = 	snop  }
0x6: {  	_ = 	snop  }
0x7: {  	_ = 	snop  }
__scs_overlays_trampoline_lowered:
0x8: {  	[smem:$0x3FA2] =	sst s0  }
0x9: {  	[smem:$0x3FA3] =	sst s1  }
0xa: {  	[smem:$0x3FA4] =	sst s2  }
0xb: {  	[smem:$0x3FA5] =	sst s3  }
0xc: {  	[smem:$0x3FA6] =	sst s4  }
0xd: {  	[smem:$0x3FA7] =	sst s5  }
0xe: {  	[smem:$0x3FA8] =	sst s6  }
0xf: {  	[smem:$0x3FA9] =	sst s7  }
0x10: {  	[smem:$0x3FAA] =	sst s8  }
0x11: {  	[smem:$0x3FAB] =	sst s9;
	s0 =	simm.s32 @!p0 $0x0  }
0x12: {  	s1 =	sld [smem:$0x3F91];
	s0 =	simm.s32 @p0 $0x1  }
0x13: {  	[smem:$0x3FAC] =	sst s0;
	s0 =	simm.s32 @!p1 $0x0  }
0x14: {  	s2 =	sld [smem:$0x3F90];
	s0 =	simm.s32 @p1 $0x1  }
0x15: {  	[smem:$0x3FAD] =	sst s0;
	s0 =	simm.s32 @!p2 $0x0  }
0x16: {  	s3 =	sld [smem:$0x3FDB];
	s0 =	simm.s32 @p2 $0x1  }
0x17: {  	s4 =	simm.s32 $0x1BF5;
	[smem:$0x3FAF] =	sst s0  }
0x18: {  	s0 =	sld [smem:$0x3F92];
	_ =	swait.ge [sflag:s4], $0x0  }
0x19: {  	s7 =	sld [smem:$0x3F93]  }
0x1a: {  	s8 =	sadd.s32 $0xFFFFE003, lr  }
0x1b: {  	s9 =	sadd.s32 $0xFFFFFEF7, lr;
	s5 =	simm.s32 $0xFFFFFFFF;
	p2 =	slt.u32 s8, $0xFFFFF086  }
0x1c: {  	p1 =	slt.u32 s9, $0xF7A;
	s5 =	simm.s32 @!p2 $0x0  }
0x1d: {  	s5 =	simm.s32 @p1 $0x1;
	p0 =	seq.s32 s7, s2  }
0x1e: {  	s7 =	smul.u32 @!p0 $0xF7A, s2;
	p2 =	seq.s32 @!p0 s5, $0x0  }
0x1f: {  	s9 =	smul.u32 $0xF7A, s1;
	s8 =	simm.s32 @!p0 $0x1BF5;
	p2 =	por !p2, p0  }
0x20: {  	[sflag:s8] =	ssyncset.s32 @!p0 $0xFFFFF086;
	s6 =	sadd.s32 @!p0 s3, s7;
	s7 =	simm.s32 @!p0 $0x108  }
0x21: {  	s3 =	sadd.s32 s3, s9;
	s6 =	sadd.s32 @!p0 $0x88, s6;
	s7 =	simm.s32 @p2 $0x1082  }
0x22: {  	[simem:s7], [sflag:s8] =	dma.local @!p0 [hbm:s6], $0xF7A  }
0x23: {  	s9 =	sor.u32 $0xD0000000, s2;
	s6 =	simm.s32 $0x108;
	_ =	swait.ge @!p0 [sflag:s8], $0x0  }
0x24: {  	s3 =	sadd.s32 $0x88, s3;
	s6 =	simm.s32 @!p1 $0x1082;
	[sflag:s4] =	ssyncset.s32 $0xFFFFF086  }
0x25: {  	[simem:s6], [sflag:s4] =	dma.local [hbm:s3], $0xF7A  }
0x26: {  	[smem:$0x3F93] =	sst s1;
	(tag) =	ssettag s2;
	_ =	strace s9  }
0x27: {  	s1 =	sld [smem:$0x3FA3]  }
0x28: {  	s2 =	sld [smem:$0x3FA4]  }
0x29: {  	s4 =	sld [smem:$0x3FA6]  }
0x2a: {  	p0 =	seq.s32 s5, $0x0;
	s5 =	sld [smem:$0x3FA7]  }
0x2b: {  	s6 =	sld [smem:$0x3FA8]  }
0x2c: {  	s7 =	sld [smem:$0x3FA9]  }
0x2d: {  	s3 =	simm.s32 $0x108;
	s8 =	sld [smem:$0x3FAA]  }
0x2e: {  	s3 =	simm.s32 @!p0 $0x1082;
	s9 =	sld [smem:$0x3FAB]  }
0x2f: {  	lr =	sadd.s32 s0, s3;
	s0 =	sld [smem:$0x3FA2]  }
0x30: {  	s3 =	sld [smem:$0x3FA5]  }
0x31: {  	[smem:$0x3FAE] =	sst s10  }
0x32: {  	s10 =	sld [smem:$0x3FAC];
	_ =	sdelay $0x3  }
0x33: {  	p0 =	seq.s32 s10, $0x1;
	s10 =	sld [smem:$0x3FAE];
	_ =	sdelay $0x3  }
0x34: {  	[smem:$0x3FAE] =	sst s10  }
0x35: {  	s10 =	sld [smem:$0x3FAD];
	_ =	sdelay $0x3  }
0x36: {  	p1 =	seq.s32 s10, $0x1;
	s10 =	sld [smem:$0x3FAE];
	_ =	sdelay $0x3  }
0x37: {  	[smem:$0x3FAE] =	sst s10  }
0x38: {  	s10 =	sld [smem:$0x3FAF]  }
0x39: {  	_ = 	snop;
	(pc) =	sbr.ind lr, $3  }
0x3a: {  	_ = 	snop  }
0x3b: {  	_ = 	snop  }
0x3c: {  	p2 =	seq.s32 s10, $0x1;
	s10 =	sld [smem:$0x3FAE]  }
0x3d: {  	_ =	shalt  }
0x3e: {  	_ =	shalt  }
0x3f: {  	_ =	shalt  }
0x40: {  	_ =	shalt  }
0x41: {  	_ =	shalt  }
0x42: {  	_ =	shalt  }
0x43: {  	_ =	shalt  }
0x44: {  	_ =	shalt  }
0x45: {  	_ =	shalt  }
0x46: {  	_ =	shalt  }
0x47: {  	_ =	shalt  }
0x48: {  	_ =	shalt  }
0x49: {  	_ =	shalt  }
0x4a: {  	_ =	shalt  }
0x4b: {  	_ =	shalt  }
0x4c: {  	_ =	shalt  }
0x4d: {  	_ =	shalt  }
0x4e: {  	_ =	shalt  }
0x4f: {  	_ =	shalt  }
0x50: {  	_ =	shalt  }
0x51: {  	_ =	shalt  }
0x52: {  	_ =	shalt  }
0x53: {  	_ =	shalt  }
0x54: {  	_ =	shalt  }
0x55: {  	_ =	shalt  }
0x56: {  	_ =	shalt  }
0x57: {  	_ =	shalt  }
0x58: {  	_ =	shalt  }
0x59: {  	_ =	shalt  }
0x5a: {  	_ =	shalt  }
0x5b: {  	_ =	shalt  }
0x5c: {  	_ =	shalt  }
0x5d: {  	_ =	shalt  }
0x5e: {  	_ =	shalt  }
0x5f: {  	_ =	shalt  }
0x60: {  	_ =	shalt  }
0x61: {  	_ =	shalt  }
0x62: {  	_ =	shalt  }
0x63: {  	_ =	shalt  }
0x64: {  	_ =	shalt  }
0x65: {  	_ =	shalt  }
0x66: {  	_ =	shalt  }
0x67: {  	_ =	shalt  }
0x68: {  	_ =	shalt  }
0x69: {  	_ =	shalt  }
0x6a: {  	_ =	shalt  }
0x6b: {  	_ =	shalt  }
0x6c: {  	_ =	shalt  }
0x6d: {  	_ =	shalt  }
0x6e: {  	_ =	shalt  }
0x6f: {  	_ =	shalt  }
0x70: {  	_ =	shalt  }
0x71: {  	_ =	shalt  }
0x72: {  	_ =	shalt  }
0x73: {  	_ =	shalt  }
0x74: {  	_ =	shalt  }
0x75: {  	_ =	shalt  }
0x76: {  	_ =	shalt  }
0x77: {  	_ =	shalt  }
0x78: {  	_ =	shalt  }
0x79: {  	_ =	shalt  }
0x7a: {  	_ =	shalt  }
0x7b: {  	_ =	shalt  }
0x7c: {  	_ =	shalt  }
0x7d: {  	_ =	shalt  }
0x7e: {  	_ =	shalt  }
0x7f: {  	_ =	shalt  }
0x80: {  	_ =	shalt  }
0x81: {  	_ =	shalt  }
0x82: {  	_ =	shalt  }
0x83: {  	_ =	shalt  }
0x84: {  	_ =	shalt  }
0x85: {  	_ =	shalt  }
0x86: {  	_ =	shalt  }
0x87: {  	_ =	shalt  }
.Lfunc_end0:
.L_simem_size_0:
called_computation_lowered:
.L_overlay_start_0:
0x88: {  	s2 =	sld [smem:$0x3FD9]  }
0x89: {  	s3 =	sld [smem:$0x3FFE];
	_ =	sdelay $0x1  }
0x8a: {  	s1 =	srdreg.scid  }
0x8b: {  	s0 =	sand.u32 $0x1, s1  }
0x8c: {  	s17 =	sshll.u32 s0, $0xA;
	s2 =	sadd.s32 s3, s2  }
0x8d: {  	s2 =	sadd.s32 s2, s17  }
0x8e: {  	[smem:$0x3FBA] =	sst s2  }
0x8f: {  	_ = 	snop  }
0x90: {  	s2 =	sld [smem:$0x3FC8];
	(tm) =	ssettm $0x1  }
0x91: {  	s18 =	sld [smem:$0x3FFB];
	_ =	sdelay $0x3  }
0x92: {  	_ =	strace s18  }
0x93: {  	s3 =	sld [smem:$0x3FFC];
	_ =	sdelay $0x3  }
0x94: {  	_ =	strace s3  }
0x95: {  	s3 =	sld [smem:$0x3FFD];
	_ =	sdelay $0x3  }
0x96: {  	_ =	strace s3  }
0x97: {  	_ =	strace $0x8FFFFFFF  }
0x98: {  	s19 =	sld [smem:$0x3FDB];
	_ =	sdelay $0x1  }
0x99: {  	s4 =	simm.s32 $_scs_section_size  }
0x9a: {  	s5 =	simm.s32 $_size__tile_overlayer_lowered;
	s6 =	simm.s32 $_tile_overlayer_lowered  }
0x9b: {  	s22 =	simm.s32 $0x1BFF;
	s21 =	sshll.u32 s6, $0x1;
	s3 =	sadd.s32 s4, s19  }
0x9c: {  	s7 =	simm.s32 $0x0;
	s20 =	sshll.u32 s5, $0x1;
	s5 =	sadd.s32 s21, s3  }
0x9d: {  	[timem:s7], [sflag:s22] =	dma.local [hbm:s5], s20  }
0x9e: {  	_ =	swait.ge [sflag:s22], s20  }
0x9f: {  	s4 =	ssub.s32 $0x0, s20;
	[sflag:s22] =	ssyncset.done $0x0  }
0xa0: {  	[sflag:s22] =	ssyncadd.s32 s4;
	_ =	sdelay $0x1  }
0xa1: {  	s23 =	simm.s32 $0x1B8B  }
0xa2: {  	_ =	swait.ge [sflag:s23], $0x1  }
0xa3: {  	[sflag:s23] =	ssyncset.done $0x0  }
0xa4: {  	s25 =	simm.s32 $0x1B8E;
	s24 =	sld [smem:$0x3FFE];
	[sflag:s23] =	ssyncadd.s32 $0xFFFFFFFF  }
0xa5: {  	s26 =	simm.s32 $execute0_lowered;
	[smem:$0x3FD2] =	sst s25  }
0xa6: {  	s5 =	sshll.u32 s26, $0x1;
	_ =	strace $0x80000046;
	[dreg:$0x1] =	wrdreg $0xFFFFFFFF  }
0xa7: {  	s28 =	simm.s32 $_size_execute0_lowered;
	s3 =	sadd.s32 s3, s5;
	[dreg:$0x0] =	wrdreg $0x0  }
0xa8: {  	s5 =	sshll.u32 s28, $0x1;
	[dreg:$0x2] =	wrdreg s3  }
0xa9: {  	[dreg:$0x3] =	wrdreg s5  }
0xaa: {  	[dreg:$0x4] =	wrdreg $0xC0  }
0xab: {  	_ =	task [dreg:s7], $0x5FFFF  }
0xac: {  	[dreg:$0x1] =	wrdreg $0xFFFFFFFF  }
0xad: {  	[dreg:$0x0] =	wrdreg $0x60  }
0xae: {  	[dreg:$0x2] =	wrdreg s2  }
0xaf: {  	[dreg:$0x3] =	wrdreg s24  }
0xb0: {  	[dreg:$0x4] =	wrdreg $0x9  }
0xb1: {  	_ =	task.clear_ibuf [dreg:s7], $0x5FFFF;
	_ =	strace $0x90000046  }
0xb2: {  	s29 =	simm.s32 $0x9;
	_ =	strace $0x80000048  }
0xb3: {  	_ =	swait.ge [sflag:s29], $0x1  }
0xb4: {  	[sflag:s29] =	ssyncadd.s32 $0xFFFFFFFF  }
0xb5: {  	_ =	strace $0x90000048  }
0xb6: {  	_ =	sfence  }
0xb7: {  	s30 =	sld [smem:$0x0];
	_ =	sdelay $0x2  }
0xb8: {  	s31 =	sshll.u32 s1, $0xD;
	s1 =	sshrl.u32 s1, $0x2  }
0xb9: {  	s3 =	sand.u32 $0x4000, s31;
	s1 =	sadd.s32 s1, s30  }
0xba: {  	s0 =	sor.u32 s3, s0;
	s1 =	sshll.u32 s1, $0x11  }
0xbb: {  	s0 =	sor.u32 s1, s0  }
0xbc: {  	s0 =	sadd.s32 $0x8F2B, s0  }
0xbd: {  	[sflag:s0] =	ssyncadd.remote.s32 $0x1  }
0xbe: {  	_ =	sfence.sel $0xFFFF  }
0xbf: {  	[dreg:$0x0] =	wrdreg $0xFFFFFFFF;
	(pc) =	sbr.abs _section_cstart, $3  }
0xc0: {  	[dreg:$0x1] =	wrdreg $0xFFFFFFFF  }
0xc1: {  	_ =	task.clear_ibuf [dreg:s7], $0x2FFFF;
	_ =	strace $0x9FFFFFFF  }
0xc2: {  	(tm) =	ssettm $0x7FFFFFFF  }
0xc3: {  	_ =	shalt  }
tec
execute0_lowered:
.L_overlay_start_1:
0x0: {  	(tag) =	ssettag $0x1  }
0x1: {  	s4 =	rddreg [dreg:$0x0]  }
0x2: {  	s3 =	rddreg [dreg:$0x1];
	s2 =	srdreg.scid  }
0x3: {  	s1 =	stileid.u32;
	s0 =	rddreg [dreg:$0x2];
	s11 =	simm.s32 $0x7680  }
0x4: {  	s12 =	simm.s32 $0x80;
	s13 =	simm.s32 $0x400;
	s14 =	simm.s32 $0x2  }
0x5: {  	s15 =	simm.s32 $0x0;
	s5 =	sand.u32 $0x1, s2;
	s6 =	sshll.u32 s1, $0x1  }
0x6: {  	s2 =	simm.s32 $0x0;
	s7 =	sshrl.u32 s1, $0x2;
	p0 =	slt.u32 s1, $0x2  }
0x7: {  	s6 =	sor.u32 s5, s6;
	[smem:$0x7FF] =	sst s2;
	s7 =	smul.u32 $0x13C00, s7  }
0x8: {  	s5 =	ssub.s32 $0x2, s5;
	s8 =	sshll.u32 s6, $0x7;
	_ =	strace $0x80000047  }
0x9: {  	s29 =	smul.u32 $0x4E, s6;
	s9 =	sshrl.u32 s5, $0x1;
	s6 =	smin.u32 s6, $0x4  }
0xa: {  	s8 =	sand.u32 $0x380, s8;
	s9 =	ssub.s32 s5, s9;
	s5 =	simm.s32 $0x4F00  }
0xb: {  	s7 =	sor.u32 s7, s8;
	s30 =	sadd.s32 s6, s29;
	s6 =	simm.s32 $0x4F00  }
0xc: {  	s5 =	simm.s32 @!p0 $0x4E00;
	s9 =	smax.u32 s9, $0x1;
	s7 =	sshrl.u32 s7, $0x3  }
0xd: {  	s31 =	sshll.u32 s30, $0x5;
	s10 =	sadd.s32 s7, s3;
	s3 =	simm.s32 $0xFFFFB100  }
0xe: {  	s4 =	sadd.s32 s4, s31;
	s3 =	simm.s32 @!p0 $0xFFFFB200;
	s7 =	sadd.s32 $0x2600, s10  }
0xf: {  	v0 =	vimm.f32 $0.0e+00;
	v1 =	vimm.f32 $1.000000000e+00;
	s8 =	sadd.s32 $0xC400, s10;
	s10 =	simm.s32 $0x1;
	p0 =	sgt.u32 s1, $0x1  }
.LBB2_1:
0x10: {  	[tilespmem:s2], [sflag:$0x1] =	stream.linear.gather [hbm4b:s4+s2], s5, $0x38;
	[tilespmem:$0x9E00] =	vst v63  }
0x11: {  	s17 =	simm.s32 $0x4F40  }
0x12: {  	s16 =	simm.s32 $0x76C0;
	[tilespmem:s17+$0xFFFFFFC0] =	vst v0  }
0x13: {  	[tilespmem:s16+$0xFFFFFFC0] =	vst v0  }
0x14: {  	[tilespmem:s17+$0xFFFFFFD0] =	vst v0  }
0x15: {  	[tilespmem:s16+$0xFFFFFFD0] =	vst v0  }
0x16: {  	[tilespmem:s17+$0xFFFFFFE0] =	vst v0  }
0x17: {  	[tilespmem:s16+$0xFFFFFFE0] =	vst v0  }
0x18: {  	[tilespmem:s17+$0xFFFFFFF0] =	vst v0  }
0x19: {  	[tilespmem:s16+$0xFFFFFFF0] =	vst v0  }
0x1a: {  	[tilespmem:s17+$0x0] =	vst v0  }
0x1b: {  	[tilespmem:s16+$0x0] =	vst v0  }
0x1c: {  	[tilespmem:s17+$0x10] =	vst v0  }
0x1d: {  	[tilespmem:s16+$0x10] =	vst v0  }
0x1e: {  	[tilespmem:s17+$0x20] =	vst v0  }
0x1f: {  	[tilespmem:s16+$0x20] =	vst v0  }
0x20: {  	[tilespmem:s17+$0x30] =	vst v0  }
0x21: {  	s18 =	simm.s32 $0x4FC0;
	s17 =	simm.s32 $0x0;
	[tilespmem:s16+$0x30] =	vst v0  }
.LBB2_2:
0x22: {  	[tilespmem:s18+$0xFFFFFFC0] =	vst v0;
	s16 =	sadd.s32 $0x80, s16  }
0x23: {  	[tilespmem:s16+$0xFFFFFFC0] =	vst v0  }
0x24: {  	[tilespmem:s18+$0xFFFFFFD0] =	vst v0  }
0x25: {  	[tilespmem:s16+$0xFFFFFFD0] =	vst v0  }
0x26: {  	[tilespmem:s18+$0xFFFFFFE0] =	vst v0  }
0x27: {  	[tilespmem:s16+$0xFFFFFFE0] =	vst v0  }
0x28: {  	[tilespmem:s18+$0xFFFFFFF0] =	vst v0  }
0x29: {  	[tilespmem:s16+$0xFFFFFFF0] =	vst v0  }
0x2a: {  	[tilespmem:s18+$0x0] =	vst v0  }
0x2b: {  	s17 =	sadd.s32 $0x8, s17;
	[tilespmem:s16+$0x0] =	vst v0  }
0x2c: {  	p1 =	slt.u32 s17, $0x268;
	[tilespmem:s18+$0x10] =	vst v0  }
.Ltmp0:
0x2d: {  	[tilespmem:s16+$0x10] =	vst v0;
	(pc) =	sbr.rel @p1 .LBB2_2-.Ltmp0, $4  }
0x2e: {  	[tilespmem:s18+$0x20] =	vst v0  }
0x2f: {  	[tilespmem:s16+$0x20] =	vst v0  }
0x30: {  	[tilespmem:s18+$0x30] =	vst v0  }
0x31: {  	s18 =	sadd.s32 $0x80, s18;
	[tilespmem:s16+$0x30] =	vst v0  }
0x32: {  	[tilespmem:$0x7600] =	vst v0  }
0x33: {  	[tilespmem:$0x9D80] =	vst v0  }
0x34: {  	_ =	swait.ge [sflag:s10], s5  }
0x35: {  	[sflag:s10] =	ssyncset.done $0x0  }
0x36: {  	s16 =	simm.s32 $0x80;
	[sflag:s10] =	ssyncadd.s32 s3  }
0x37: {  	v2 =	vld [tilespmem:s16+$0xFFFFFF80]  }
0x38: {  	v3 =	vld [tilespmem:s16+$0xFFFFFF90]  }
0x39: {  	v4 =	vld [tilespmem:s16+$0xFFFFFFA0]  }
0x3a: {  	v5 =	vld [tilespmem:s16+$0xFFFFFFB0]  }
0x3b: {  	v7 =	vld [tilespmem:s16+$0x10]  }
0x3c: {  	v8 =	vld [tilespmem:s16+$0xFFFFFFE0]  }
0x3d: {  	v9 =	vld [tilespmem:s16+$0xFFFFFFF0]  }
0x3e: {  	v6 =	vld [tilespmem:s16+$0x70]  }
0x3f: {  	v10 =	vld [tilespmem:s16+$0x60]  }
0x40: {  	v11 =	vld [tilespmem:s16+$0xFFFFFFC0]  }
0x41: {  	v13 =	vld [tilespmem:s16+$0x50]  }
0x42: {  	v14 =	vld [tilespmem:s16+$0x40]  }
0x43: {  	v15 =	vld [tilespmem:s16+$0x30]  }
0x44: {  	v12 =	vld [tilespmem:s16+$0xFFFFFFD0]  }
0x45: {  	v16 =	vld [tilespmem:s16+$0x20]  }
0x46: {  	vm0 =	veq.s32 v6, $0x0;
	[tilespmem:v6+s6+$0x0] =	vst.idx.add.f32.msk $0xffff, v1  }
0x47: {  	vm2 =	veq.s32 v13, $0x0;
	v6 =	vld [tilespmem:s16+$0x0]  }
0x48: {  	vm3 =	veq.s32 v14, $0x0;
	[tilespmem:v10+s6+$0x0] =	vst.idx.add.f32.msk $0xffff, v1  }
0x49: {  	[tilespmem:v13+s6+$0x0] =	vst.idx.add.f32.msk $0xffff, v1  }
0x4a: {  	vm1 =	veq.s32 v10, $0x0;
	[tilespmem:v14+s6+$0x0] =	vst.idx.add.f32.msk $0xffff, v1  }
0x4b: {  	[tilespmem:v15+s6+$0x0] =	vst.idx.add.f32.msk $0xffff, v1  }
0x4c: {  	[tilespmem:v9+s11+$0x0] =	vst.idx.add.f32.msk vm0, v1;
	vm0 =	veq.s32 v15, $0x0  }
0x4d: {  	[tilespmem:v12+s11+$0x0] =	vst.idx.add.f32.msk vm2, v1;
	vm2 =	veq.s32 v16, $0x0  }
0x4e: {  	[tilespmem:v11+s11+$0x0] =	vst.idx.add.f32.msk vm3, v1;
	vm3 =	veq.s32 v7, $0x0  }
0x4f: {  	[tilespmem:v16+s6+$0x0] =	vst.idx.add.f32.msk $0xffff, v1  }
0x50: {  	[tilespmem:v8+s11+$0x0] =	vst.idx.add.f32.msk vm1, v1;
	vm1 =	veq.s32 v6, $0x0  }
0x51: {  	s17 =	simm.s32 $0x0;
	[tilespmem:v7+s6+$0x0] =	vst.idx.add.f32.msk $0xffff, v1  }
.LBB2_4:
0x52: {  	s17 =	sadd.s32 $0x80, s17;
	[tilespmem:v5+s11+$0x0] =	vst.idx.add.f32.msk vm0, v1;
	s16 =	sadd.s32 $0x100, s16  }
0x53: {  	p1 =	slt.u32 s17, $0x2680;
	[tilespmem:v4+s11+$0x0] =	vst.idx.add.f32.msk vm2, v1  }
0x54: {  	[tilespmem:v3+s11+$0x0] =	vst.idx.add.f32.msk vm3, v1  }
0x55: {  	[tilespmem:v6+s6+$0x0] =	vst.idx.add.f32.msk $0xffff, v1  }
0x56: {  	[tilespmem:v2+s11+$0x0] =	vst.idx.add.f32.msk vm1, v1  }
0x57: {  	v2 =	vld [tilespmem:s16+$0xFFFFFF80]  }
0x58: {  	v3 =	vld [tilespmem:s16+$0xFFFFFF90]  }
0x59: {  	v4 =	vld [tilespmem:s16+$0xFFFFFFA0]  }
0x5a: {  	v5 =	vld [tilespmem:s16+$0xFFFFFFB0]  }
0x5b: {  	v7 =	vld [tilespmem:s16+$0x10]  }
0x5c: {  	v8 =	vld [tilespmem:s16+$0xFFFFFFE0]  }
0x5d: {  	v9 =	vld [tilespmem:s16+$0xFFFFFFF0]  }
0x5e: {  	v6 =	vld [tilespmem:s16+$0x70]  }
0x5f: {  	v10 =	vld [tilespmem:s16+$0x60]  }
0x60: {  	v11 =	vld [tilespmem:s16+$0xFFFFFFC0]  }
0x61: {  	v12 =	vld [tilespmem:s16+$0xFFFFFFD0]  }
0x62: {  	v13 =	vld [tilespmem:s16+$0x50]  }
0x63: {  	v14 =	vld [tilespmem:s16+$0x40];
	vm1 =	veq.s32 v6, $0x0  }
0x64: {  	v15 =	vld [tilespmem:s16+$0x30];
	vm4 =	veq.s32 v10, $0x0  }
0x65: {  	v16 =	vld [tilespmem:s16+$0x20]  }
0x66: {  	[tilespmem:v6+s6+$0x0] =	vst.idx.add.f32.msk $0xffff, v1  }
0x67: {  	v6 =	vld [tilespmem:s16+$0x0];
	vm5 =	veq.s32 v13, $0x0  }
0x68: {  	vm6 =	veq.s32 v14, $0x0;
	[tilespmem:v10+s6+$0x0] =	vst.idx.add.f32.msk $0xffff, v1  }
0x69: {  	vm0 =	veq.s32 v15, $0x0;
	[tilespmem:v9+s11+$0x0] =	vst.idx.add.f32.msk vm1, v1  }
0x6a: {  	vm2 =	veq.s32 v16, $0x0;
	[tilespmem:v13+s6+$0x0] =	vst.idx.add.f32.msk $0xffff, v1  }
0x6b: {  	vm3 =	veq.s32 v7, $0x0;
	[tilespmem:v14+s6+$0x0] =	vst.idx.add.f32.msk $0xffff, v1  }
0x6c: {  	vm1 =	veq.s32 v6, $0x0;
	[tilespmem:v15+s6+$0x0] =	vst.idx.add.f32.msk $0xffff, v1  }
.Ltmp1:
0x6d: {  	[tilespmem:v8+s11+$0x0] =	vst.idx.add.f32.msk vm4, v1;
	(pc) =	sbr.rel @p1 .LBB2_4-.Ltmp1, $4  }
0x6e: {  	[tilespmem:v16+s6+$0x0] =	vst.idx.add.f32.msk $0xffff, v1  }
0x6f: {  	[tilespmem:v12+s11+$0x0] =	vst.idx.add.f32.msk vm5, v1  }
0x70: {  	[tilespmem:v11+s11+$0x0] =	vst.idx.add.f32.msk vm6, v1  }
0x71: {  	[tilespmem:v7+s6+$0x0] =	vst.idx.add.f32.msk $0xffff, v1  }
0x72: {  	_ =	sdelay $0x4  }
0x73: {  	[tilespmem:v5+s11+$0x0] =	vst.idx.add.f32.msk vm0, v1  }
0x74: {  	[tilespmem:v4+s11+$0x0] =	vst.idx.add.f32.msk vm2, v1  }
0x75: {  	[tilespmem:v3+s11+$0x0] =	vst.idx.add.f32.msk vm3, v1  }
0x76: {  	[tilespmem:v6+s6+$0x0] =	vst.idx.add.f32.msk $0xffff, v1  }
0x77: {  	[tilespmem:v2+s11+$0x0] =	vst.idx.add.f32.msk vm1, v1  }
0x78: {  	v2 =	vld @!p0 [tilespmem:$0x4E80]  }
0x79: {  	v3 =	vld @!p0 [tilespmem:$0x4E90]  }
0x7a: {  	v4 =	vld @!p0 [tilespmem:$0x4E00]  }
0x7b: {  	v5 =	vld @!p0 [tilespmem:$0x4EA0]  }
0x7c: {  	v6 =	vld @!p0 [tilespmem:$0x4E10]  }
0x7d: {  	v7 =	vld @!p0 [tilespmem:$0x4E20]  }
0x7e: {  	v9 =	vld @!p0 [tilespmem:$0x4EF0]  }
0x7f: {  	v8 =	vimm.f32 @!p0 $1.000000000e+00;
	s16 =	simm.s32 @!p0 $0x4F00;
	v10 =	vld @!p0 [tilespmem:$0x4E60];
	vm0 =	veq.s32 @!p0 v2, $0x0  }
0x80: {  	[tilespmem:v2+s16+$0x0] =	vst.idx.add.f32.msk @!p0 $0xffff, v8  }
0x81: {  	v2 =	vld @!p0 [tilespmem:$0x4EB0]  }
0x82: {  	vm1 =	veq.s32 @!p0 v3, $0x0;
	[tilespmem:v3+s16+$0x0] =	vst.idx.add.f32.msk @!p0 $0xffff, v8  }
0x83: {  	[tilespmem:v5+s16+$0x0] =	vst.idx.add.f32.msk @!p0 $0xffff, v8  }
0x84: {  	s17 =	simm.s32 @!p0 $0x7680;
	v3 =	vld @!p0 [tilespmem:$0x4E30]  }
0x85: {  	[tilespmem:v4+s17+$0x0] =	vst.idx.add.f32.msk @!p0 vm0, v8  }
0x86: {  	vm2 =	veq.s32 @!p0 v5, $0x0;
	v4 =	vld @!p0 [tilespmem:$0x4EC0]  }
0x87: {  	v5 =	vld @!p0 [tilespmem:$0x4E40]  }
0x88: {  	[tilespmem:v6+s17+$0x0] =	vst.idx.add.f32.msk @!p0 vm1, v8;
	vm0 =	veq.s32 @!p0 v2, $0x0  }
0x89: {  	v6 =	vld @!p0 [tilespmem:$0x4EE0]  }
0x8a: {  	[tilespmem:v2+s16+$0x0] =	vst.idx.add.f32.msk @!p0 $0xffff, v8  }
0x8b: {  	v2 =	vld @!p0 [tilespmem:$0x4ED0];
	vm1 =	veq.s32 @!p0 v4, $0x0  }
0x8c: {  	[tilespmem:v7+s17+$0x0] =	vst.idx.add.f32.msk @!p0 vm2, v8  }
0x8d: {  	v7 =	vld @!p0 [tilespmem:$0x4E50]  }
0x8e: {  	[tilespmem:v3+s17+$0x0] =	vst.idx.add.f32.msk @!p0 vm0, v8  }
0x8f: {  	vm0 =	veq.s32 @!p0 v6, $0x0;
	v3 =	vld @!p0 [tilespmem:$0x4E70]  }
0x90: {  	[tilespmem:v4+s16+$0x0] =	vst.idx.add.f32.msk @!p0 $0xffff, v8;
	vm2 =	veq.s32 @!p0 v2, $0x0  }
0x91: {  	[tilespmem:v5+s17+$0x0] =	vst.idx.add.f32.msk @!p0 vm1, v8;
	vm1 =	veq.s32 @!p0 v9, $0x0  }
0x92: {  	[tilespmem:v6+s16+$0x0] =	vst.idx.add.f32.msk @!p0 $0xffff, v8  }
0x93: {  	[tilespmem:v9+s16+$0x0] =	vst.idx.add.f32.msk @!p0 $0xffff, v8  }
0x94: {  	[tilespmem:v2+s16+$0x0] =	vst.idx.add.f32.msk @!p0 $0xffff, v8  }
0x95: {  	[tilespmem:v10+s17+$0x0] =	vst.idx.add.f32.msk @!p0 vm0, v8  }
0x96: {  	[tilespmem:v7+s17+$0x0] =	vst.idx.add.f32.msk @!p0 vm2, v8  }
0x97: {  	[tilespmem:v3+s17+$0x0] =	vst.idx.add.f32.msk @!p0 vm1, v8  }
0x98: {  	[hbm4b:s7+s12] =	stream.strided.scatter [tilespmem:s6], [sflag:$0x2], $0x2780, s13, s12, $0x38;
	[tilespmem:$0x9E00] =	vst v63  }
0x99: {  	s15 =	sadd.s32 $0x1, s15;
	_ =	swait.ge [sflag:s14], $0x2780  }
0x9a: {  	p1 =	sne.s32 s15, s9;
	[sflag:s14] =	ssyncset.done $0x0  }
.Ltmp2:
0x9b: {  	[sflag:s14] =	ssyncadd.s32 $0xFFFFD880;
	(pc) =	sbr.rel @p1 .LBB2_1-.Ltmp2, $4  }
0x9c: {  	[hbm4b:s8+s12] =	stream.strided.scatter [tilespmem:s11], [sflag:$0x2], $0x2780, s13, s12, $0x38;
	[tilespmem:$0x9E00] =	vst v63  }
0x9d: {  	_ =	swait.ge [sflag:s14], $0x2780  }
0x9e: {  	[sflag:s14] =	ssyncset.done $0x0  }
0x9f: {  	[sflag:s14] =	ssyncadd.s32 $0xFFFFD880  }
0xa0: {  	_ =	sfence.sel $0x180000  }
0xa1: {  	[bflag:$0x0] =	sbarrier.arrive $0xFFFF  }
0xa2: {  	p0 =	sne.s32 s1, $0x0;
	_ =	strace $0x90000047  }
0xa3: {  	s0 =	sadd.s32 @!p0 $0x100000, s0;
	[bflag:$0x2] =	sbarrier.arrive $0xFFFF  }
0xa4: {  	[sflag:s0] =	ssyncadd.tile.s32 @!p0 $0x1;
	_ =	shalt  }
.Lfunc_end2:
_tile_overlayer_lowered:
.L_overlay_start_2:
0xa5: {  	(tag) =	ssettag $0x2  }
0xa6: {  	s0 =	rddreg [dreg:$0x0];
	s2 =	stileid.u32  }
0xa7: {  	s1 =	rddreg [dreg:$0x1];
	p0 =	sne.s32 s2, $0x0  }
0xa8: {  	s3 =	rddreg [dreg:$0x2];
	[bflag:$0x3] =	sbarrier.arrive $0xFFFF;
	s2 =	simm.s32 @!p0 $0x1C02  }
0xa9: {  	[timem:s3], [sflag:s2] =	dma.local @!p0 [hbm:s0], s1  }
0xaa: {  	s0 =	simm.s32 @!p0 $0x2  }
0xab: {  	_ =	swait.ge @!p0 [sflag:s0], s1  }
0xac: {  	s1 =	ssub.s32 @!p0 $0x0, s1;
	[sflag:s0] =	ssyncset.done @!p0 $0x0  }
0xad: {  	[sflag:s0] =	ssyncadd.s32 @!p0 s1  }
0xae: {  	[bflag:$0x3] =	sbarrier.arrive $0xFFFF  }
0xaf: {  	_ =	shalt  }

</sc_bundles>
